<compile_context>
chip_gen: v7x
topology: tpu7x:2x2x1
jax: 0.10.2.dev20260603
libtpu: 0.0.44.dev20260713+nightly
codegen_flags: <defaults>
</compile_context>

<pallas_src>
import functools

import jax
import jax.numpy as jnp
from jax import lax
from jax.experimental import pallas as pl
from jax.experimental.pallas import tpu as pltpu
from jax.experimental.pallas import tpu_sc as plsc

K_NN = 16


def _knn_body(xt_ref, ytT_ref, sx_ref, sy_ref, idx_ref, dist_ref):
    M = xt_ref.shape[1]
    N = ytT_ref.shape[2]
    K = idx_ref.shape[1]
    c = jnp.dot(xt_ref[0], ytT_ref[0], preferred_element_type=jnp.float32)
    d = (-2.0 * c + sx_ref[0]) + sy_ref[0]
    dist_ref[...] = d
    col = jax.lax.broadcasted_iota(jnp.int32, (M, N), 1)

    def step(it, _):
        dd = dist_ref[...]
        m = jnp.min(dd, axis=1, keepdims=True)
        am = jnp.min(jnp.where(dd == m, col, N), axis=1, keepdims=True)
        dist_ref[...] = jnp.where(col == am, jnp.inf, dd)
        idx_ref[0, pl.ds(it, 1), :] = am.reshape(1, M)
        return 0

    jax.lax.fori_loop(0, K, step, 0, unroll=False)


def _knn_topk(xt, ytT, sx, sy):
    B, N, _ = xt.shape
    M = 256
    return pl.pallas_call(
        _knn_body,
        grid=(B, N // M),
        in_specs=[
            pl.BlockSpec((1, M, 8), lambda b, i: (b, i, 0)),
            pl.BlockSpec((1, 8, N), lambda b, i: (b, 0, 0)),
            pl.BlockSpec((1, M, 1), lambda b, i: (b, i, 0)),
            pl.BlockSpec((1, 1, N), lambda b, i: (b, 0, 0)),
        ],
        out_specs=pl.BlockSpec((1, K_NN, M), lambda b, i: (b, 0, i)),
        out_shape=jax.ShapeDtypeStruct((B, K_NN, N), jnp.int32),
        scratch_shapes=[pltpu.VMEM((M, N), jnp.float32)],
    )(xt, ytT, sx, sy)


def _sc_gather(table, gidx):
    R, W = table.shape
    P = gidx.shape[0]
    info = plsc.get_sparse_core_info()
    NC, NS = info.num_cores, info.num_subcores
    NW = NC * NS
    C = 128
    per_w = P // NW
    n_chunks = per_w // C
    mesh = plsc.VectorSubcoreMesh(core_axis_name="c", subcore_axis_name="s")

    @functools.partial(
        pl.kernel, mesh=mesh,
        out_type=jax.ShapeDtypeStruct((P, W), jnp.int32),
        scratch_types=[
            pltpu.VMEM((C,), jnp.int32),
            pltpu.VMEM((C, W), jnp.int32),
            pltpu.SemaphoreType.DMA,
        ],
    )
    def k(table_h, gidx_h, out_h, idxv, buf, sem):
        wid = lax.axis_index("s") * NC + lax.axis_index("c")
        base = wid * per_w

        def body(j, _):
            off = base + j * C
            pltpu.sync_copy(gidx_h.at[pl.ds(off, C)], idxv)
            pltpu.async_copy(table_h.at[idxv], buf, sem).wait()
            pltpu.sync_copy(buf, out_h.at[pl.ds(off, C)])
            return 0

        lax.fori_loop(0, n_chunks, body, 0)

    return k(table, gidx)


def _attn_body(qA_ref, aP_ref, g_ref,
               Wp2_ref, bp2_ref, W2A_ref, b2A_ref,
               Wa2_ref, ba2_ref, out_ref):
    M = qA_ref.shape[1]
    K = g_ref.shape[2]
    D = qA_ref.shape[2]

    gi = g_ref[0].reshape(M * K, 2 * D)
    kv = gi[:, 0:D]
    kAg = jax.lax.bitcast_convert_type(kv & jnp.int32(-0x10000), jnp.float32)
    vg = jax.lax.bitcast_convert_type(jax.lax.shift_left(kv, 16),
                                      jnp.float32)
    bg = jax.lax.bitcast_convert_type(gi[:, D:2 * D], jnp.float32)
    aP = aP_ref[0]
    aP_rep = jnp.broadcast_to(aP.reshape(M, 1, D), (M, K, D)).reshape(M * K, D)
    h = jnp.maximum(aP_rep - bg, 0.0)

    delta = jnp.dot(h, Wp2_ref[...], preferred_element_type=jnp.float32) \
        + bp2_ref[...].reshape(1, D)
    deltaA = jnp.dot(h, W2A_ref[...], preferred_element_type=jnp.float32) \
        + b2A_ref[...].reshape(1, D)

    qA = qA_ref[0]
    qA_rep = jnp.broadcast_to(qA.reshape(M, 1, D), (M, K, D)).reshape(M * K, D)
    z = jnp.maximum(qA_rep - kAg + deltaA, 0.0)
    a = jnp.dot(z, Wa2_ref[...], preferred_element_type=jnp.float32) \
        + ba2_ref[...].reshape(1, D)

    a3 = a.reshape(M, K, D)
    amax = jnp.max(a3, axis=1, keepdims=True)
    e = jnp.exp(a3 - amax)
    w = e / jnp.sum(e, axis=1, keepdims=True)

    vd = (vg + delta).reshape(M, K, D)
    out_ref[0] = jnp.sum(w * vd, axis=1)


def _fused_attention(qA, aP, g, Wp2, bp2, W2A, b2A, Wa2, ba2):
    B, N, D = qA.shape
    K = g.shape[2]
    M = 128
    grid = (B, N // M)
    wspec = lambda shape: pl.BlockSpec(shape, lambda b, i: (0,) * len(shape))
    return pl.pallas_call(
        _attn_body,
        grid=grid,
        in_specs=[
            pl.BlockSpec((1, M, D), lambda b, i: (b, i, 0)),
            pl.BlockSpec((1, M, D), lambda b, i: (b, i, 0)),
            pl.BlockSpec((1, M, K, 2 * D), lambda b, i: (b, i, 0, 0)),
            wspec((D, D)), wspec((D,)),
            wspec((D, D)), wspec((D,)),
            wspec((D, D)), wspec((D,)),
        ],
        out_specs=pl.BlockSpec((1, M, D), lambda b, i: (b, i, 0)),
        out_shape=jax.ShapeDtypeStruct((B, N, D), jnp.float32),
    )(qA, aP, g, Wp2, bp2, W2A, b2A, Wa2, ba2)


def kernel(xyz, features, Wq, bq, Wk, bk, Wv, bv, Wp1, bp1, Wp2, bp2,
           Wa1, ba1, Wa2, ba2):
    B, N, D = features.shape

    sq = jnp.sum(xyz * xyz, axis=-1, keepdims=True)
    pad5 = jnp.zeros(xyz.shape[:2] + (5,), xyz.dtype)
    xt = jnp.concatenate([xyz, pad5], axis=-1)
    idx = jnp.transpose(
        _knn_topk(xt, jnp.transpose(xt, (0, 2, 1)), sq,
                  jnp.transpose(sq, (0, 2, 1))),
        (0, 2, 1))

    WqA = Wq @ Wa1
    WkA = Wk @ Wa1
    W2A = Wp2 @ Wa1
    qA = features @ WqA + (bq @ Wa1)
    kA = features @ WkA + (bk @ Wa1)
    v = features @ Wv + bv
    b2A = bp2 @ Wa1 + ba1

    K = K_NN
    bP = xyz @ Wp1
    aP = bP + bp1
    kv = ((jax.lax.bitcast_convert_type(kA, jnp.int32) + 0x8000)
          & (-0x10000)) | \
        jax.lax.shift_right_logical(
            jax.lax.bitcast_convert_type(v, jnp.int32) + 0x8000, 16)
    table = jnp.concatenate(
        [kv, jax.lax.bitcast_convert_type(bP, jnp.int32)],
        axis=-1).reshape(B * N, 2 * D)
    gidx = (idx + (jnp.arange(B, dtype=jnp.int32) * N)[:, None, None])
    g = _sc_gather(table, gidx.reshape(-1)).reshape(B, N, K, 2 * D)

    return _fused_attention(qA, aP, g, Wp2, bp2, W2A, b2A, Wa2, ba2)

# --- scband reference (transcript-rebuilt; emitter-appended) ---
"""Pipeline reference for scband-point-transformer-layer-70153995813099 (READ-ONLY COPY).

The authoritative reference and input builder live on the scoring server;
editing this copy changes nothing except your own understanding.
"""

import jax, jax.numpy as jnp
import numpy as np

K_NEIGHBORS = 16


def knn_points(xyz, new_xyz, k):
    # dist[b,m,n] = ||new_xyz[b,m] - xyz[b,n]||^2 (up to exact expansion)
    dist = -2.0 * jnp.matmul(new_xyz, jnp.transpose(xyz, (0, 2, 1)))
    dist = dist + jnp.sum(new_xyz ** 2, -1, keepdims=True)
    dist = dist + jnp.sum(xyz ** 2, -1)[:, None, :]
    # smallest-k via top_k on negated distances
    _, idx = jax.lax.top_k(-dist, k)
    return idx


def index_points(points, idx):
    # points: [B, N, C], idx: [B, M, K] -> [B, M, K, C]
    return jax.vmap(lambda p, i: p[i])(points, idx)


def setup_inputs(seed: int = 0) -> dict:
    key = jax.random.key(seed)
    ks = jax.random.split(key, 20)
    B, N, dim = 4, 4096, 128
    xyz = jax.random.uniform(ks[0], (B, N, 3), dtype=jnp.float32)
    features = jax.random.normal(ks[1], (B, N, dim), dtype=jnp.float32)
    s = 0.05
    Wq = jax.random.normal(ks[2], (dim, dim), dtype=jnp.float32) * s
    bq = jnp.zeros((dim,), jnp.float32)
    Wk = jax.random.normal(ks[3], (dim, dim), dtype=jnp.float32) * s
    bk = jnp.zeros((dim,), jnp.float32)
    Wv = jax.random.normal(ks[4], (dim, dim), dtype=jnp.float32) * s
    bv = jnp.zeros((dim,), jnp.float32)
    Wp1 = jax.random.normal(ks[5], (3, dim), dtype=jnp.float32) * s
    bp1 = jnp.zeros((dim,), jnp.float32)
    Wp2 = jax.random.normal(ks[6], (dim, dim), dtype=jnp.float32) * s
    bp2 = jnp.zeros((dim,), jnp.float32)
    Wa1 = jax.random.normal(ks[7], (dim, dim), dtype=jnp.float32) * s
    ba1 = jnp.zeros((dim,), jnp.float32)
    Wa2 = jax.random.normal(ks[8], (dim, dim), dtype=jnp.float32) * s
    ba2 = jnp.zeros((dim,), jnp.float32)
    return {"xyz": xyz, "features": features, "Wq": Wq, "bq": bq, "Wk": Wk, "bk": bk,
            "Wv": Wv, "bv": bv, "Wp1": Wp1, "bp1": bp1, "Wp2": Wp2, "bp2": bp2,
            "Wa1": Wa1, "ba1": ba1, "Wa2": Wa2, "ba2": ba2}


def reference(xyz, features, Wq, bq, Wk, bk, Wv, bv, Wp1, bp1, Wp2, bp2, Wa1, ba1, Wa2, ba2):
    idx = knn_points(xyz, xyz, K_NEIGHBORS)
    q = features @ Wq + bq
    k = features @ Wk + bk
    v = features @ Wv + bv
    k_grouped = index_points(k, idx)
    v_grouped = index_points(v, idx)
    xyz_grouped = index_points(xyz, idx)
    pos_diff = xyz[:, :, None, :] - xyz_grouped
    delta = jax.nn.relu(pos_diff @ Wp1 + bp1) @ Wp2 + bp2
    q_expanded = q[:, :, None, :]
    attn = jax.nn.relu((q_expanded - k_grouped + delta) @ Wa1 + ba1) @ Wa2 + ba2
    attn = jax.nn.softmax(attn, axis=2)
    out = jnp.sum(attn * (v_grouped + delta), axis=2)
    return out

if __name__ == "__main__":
    import jax
    _d = setup_inputs()
    print(jax.jit(kernel)(*tuple(_d.values())))

</pallas_src>

<mosaic_0001>
#map = affine_map<(d0, d1) -> (0, 0)>
#map1 = affine_map<(d0, d1) -> (0)>
module attributes {stable_mosaic.version = 14 : i64} {
  func.func @k(%arg0: i32, %arg1: i32, %arg2: memref<16384x256xi32, #tpu.memory_space<hbm>>, %arg3: memref<262144xi32, #tpu.memory_space<hbm>>, %arg4: memref<262144x256xi32, #tpu.memory_space<hbm>>, %arg5: memref<128xi32, #tpu.memory_space<vmem>>, %arg6: memref<128x256xi32, #tpu.memory_space<vmem>>, %arg7: memref<!tpu.dma_semaphore, #tpu.memory_space<semaphore_mem>>) attributes {dimension_semantics = [#tpu.dimension_semantics<core_parallel>, #tpu.dimension_semantics<subcore_parallel>], iteration_bounds = array<i64: 2, 16>, scalar_prefetch = 0 : i64, scratch_operands = 3 : i64, tpu.core_type = #tpu.core_type<sc_vector_subcore>, window_params = [{transform_indices = #map}, {transform_indices = #map1}, {transform_indices = #map}]} {
    %mul3A = arith.constant 2 : i32
    %mul3A_0 = arith.muli %arg1, %mul3A : i32
    %add3A = arith.addi %mul3A_0, %arg0 : i32
    %mul3A_1 = arith.constant 8192 : i32
    %mul3A_2 = arith.muli %add3A, %mul3A_1 : i32
    %scan3A = arith.constant 0 : i32
    %scan3A_3 = arith.constant 0 : i32
    %scan3A_4 = arith.constant 64 : i32
    %scan3A_5 = arith.addi %scan3A_3, %scan3A_4 : i32
    %scan3A_6 = arith.constant 1 : i32
    %scan3A_7 = scf.for %scan3A_9 = %scan3A_3 to %scan3A_5 step %scan3A_6 iter_args(%scan3A_10 = %scan3A) -> (i32)  : i32 {
      %mul3A_11 = arith.constant 128 : i32
      %mul3A_12 = arith.muli %scan3A_9, %mul3A_11 : i32
      %add3A_13 = arith.addi %mul3A_2, %mul3A_12 : i32
      "tpu.region"() ({
        %run_scoped3A = tpu.sem_alloc : memref<!tpu.dma_semaphore, #tpu.memory_space<semaphore_mem>>
        %dma_start3A_19 = tpu.memref_slice %arg3[%add3A_13] : memref<262144xi32, #tpu.memory_space<hbm>> -> memref<128xi32, #tpu.memory_space<hbm>>
        %dma_start3A_20 = tpu.memref_slice %arg3[%add3A_13] : memref<262144xi32, #tpu.memory_space<hbm>> -> memref<128xi32, #tpu.memory_space<hbm>>
        tpu.enqueue_dma source(%dma_start3A_20 : memref<128xi32, #tpu.memory_space<hbm>>) target(%arg5 : memref<128xi32, #tpu.memory_space<vmem>>) target_semaphore(%run_scoped3A : memref<!tpu.dma_semaphore, #tpu.memory_space<semaphore_mem>>)
        %dma_wait3A_21 = tpu.memref_slice %arg3[%add3A_13] : memref<262144xi32, #tpu.memory_space<hbm>> -> memref<128xi32, #tpu.memory_space<hbm>>
        %dma_wait3A_22 = tpu.memref_slice %arg3[%add3A_13] : memref<262144xi32, #tpu.memory_space<hbm>> -> memref<128xi32, #tpu.memory_space<hbm>>
        tpu.wait_dma2 semaphore(%run_scoped3A : memref<!tpu.dma_semaphore, #tpu.memory_space<semaphore_mem>>) src(%dma_wait3A_22 : memref<128xi32, #tpu.memory_space<hbm>>) dst(%arg5 : memref<128xi32, #tpu.memory_space<vmem>>)
        tpu.yield
      }) : () -> ()
      %dma_start3A = arith.constant 0 : i32
      %dma_start3A_14 = arith.constant 0 : i32
      %dma_start3A_15 = tpu.memref_slice %arg2[%dma_start3A, %dma_start3A_14] : memref<16384x256xi32, #tpu.memory_space<hbm>> -> memref<16384x256xi32, #tpu.memory_space<hbm>>
      tpu.enqueue_indirect_dma source(%dma_start3A_15 : memref<16384x256xi32, #tpu.memory_space<hbm>>) target(%arg6 : memref<128x256xi32, #tpu.memory_space<vmem>>) offsets(%arg5 : memref<128xi32, #tpu.memory_space<vmem>>) semaphore(%arg7 : memref<!tpu.dma_semaphore, #tpu.memory_space<semaphore_mem>>)
      %dma_wait3A = arith.constant 0 : i32
      %dma_wait3A_16 = arith.constant 0 : i32
      %dma_wait3A_17 = tpu.memref_slice %arg2[%dma_wait3A, %dma_wait3A_16] : memref<16384x256xi32, #tpu.memory_space<hbm>> -> memref<16384x256xi32, #tpu.memory_space<hbm>>
      tpu.wait_indirect_dma semaphore(%arg7 : memref<!tpu.dma_semaphore, #tpu.memory_space<semaphore_mem>>) src(%dma_wait3A_17 : memref<16384x256xi32, #tpu.memory_space<hbm>>) dst(%arg6 : memref<128x256xi32, #tpu.memory_space<vmem>>)
      "tpu.region"() ({
        %run_scoped3A = tpu.sem_alloc : memref<!tpu.dma_semaphore, #tpu.memory_space<semaphore_mem>>
        %dma_start3A_19 = arith.constant 0 : i32
        %dma_start3A_20 = tpu.memref_slice %arg4[%add3A_13, %dma_start3A_19] : memref<262144x256xi32, #tpu.memory_space<hbm>> -> memref<128x256xi32, #tpu.memory_space<hbm>>
        %dma_start3A_21 = arith.constant 0 : i32
        %dma_start3A_22 = tpu.memref_slice %arg4[%add3A_13, %dma_start3A_21] : memref<262144x256xi32, #tpu.memory_space<hbm>> -> memref<128x256xi32, #tpu.memory_space<hbm>>
        tpu.enqueue_dma source(%arg6 : memref<128x256xi32, #tpu.memory_space<vmem>>) target(%dma_start3A_22 : memref<128x256xi32, #tpu.memory_space<hbm>>) target_semaphore(%run_scoped3A : memref<!tpu.dma_semaphore, #tpu.memory_space<semaphore_mem>>)
        %dma_wait3A_23 = arith.constant 0 : i32
        %dma_wait3A_24 = tpu.memref_slice %arg4[%add3A_13, %dma_wait3A_23] : memref<262144x256xi32, #tpu.memory_space<hbm>> -> memref<128x256xi32, #tpu.memory_space<hbm>>
        %dma_wait3A_25 = arith.constant 0 : i32
        %dma_wait3A_26 = tpu.memref_slice %arg4[%add3A_13, %dma_wait3A_25] : memref<262144x256xi32, #tpu.memory_space<hbm>> -> memref<128x256xi32, #tpu.memory_space<hbm>>
        tpu.wait_dma2 semaphore(%run_scoped3A : memref<!tpu.dma_semaphore, #tpu.memory_space<semaphore_mem>>) src(%arg6 : memref<128x256xi32, #tpu.memory_space<vmem>>) dst(%dma_wait3A_26 : memref<128x256xi32, #tpu.memory_space<hbm>>)
        tpu.yield
      }) : () -> ()
      %scan3A_18 = arith.constant 0 : i32
      scf.yield %scan3A_18 : i32
    }
    %scan3A_8 = arith.constant 64 : i32
    return
  }
}

module attributes {stable_mosaic.version = 14 : i64} {
  func.func @_knn_body(%arg0: i32, %arg1: i32, %arg2: memref<1x256x8xf32, #tpu.memory_space<vmem>>, %arg3: memref<1x8x4096xf32, #tpu.memory_space<vmem>>, %arg4: memref<1x256x1xf32, #tpu.memory_space<vmem>>, %arg5: memref<1x1x4096xf32, #tpu.memory_space<vmem>>, %arg6: memref<1x16x256xi32, #tpu.memory_space<vmem>>, %arg7: memref<256x4096xf32, #tpu.memory_space<vmem>>) attributes {dimension_semantics = [#tpu.dimension_semantics<arbitrary>, #tpu.dimension_semantics<arbitrary>], iteration_bounds = array<i64: 4, 16>, scalar_prefetch = 0 : i64, scratch_operands = 1 : i64, tpu.core_type = #tpu.core_type<tc>, window_params = [{transform_indices = @transform_0, window_bounds = array<i64: 1, 256, 8>}, {transform_indices = @transform_1, window_bounds = array<i64: 1, 8, 4096>}, {transform_indices = @transform_2, window_bounds = array<i64: 1, 256, 1>}, {transform_indices = @transform_3, window_bounds = array<i64: 1, 1, 4096>}, {transform_indices = @transform_4, window_bounds = array<i64: 1, 16, 256>}]} {
    %get3A = arith.constant 0 : index
    %get3A_0 = arith.constant 0 : index
    %get3A_1 = arith.constant 0 : index
    %get3A_2 = vector.load %arg2[%get3A, %get3A_0, %get3A_1] : memref<1x256x8xf32, #tpu.memory_space<vmem>>, vector<1x256x8xf32>
    %get3A_3 = vector.shape_cast %get3A_2 : vector<1x256x8xf32> to vector<256x8xf32>
    %get3A_4 = arith.constant 0 : index
    %get3A_5 = arith.constant 0 : index
    %get3A_6 = arith.constant 0 : index
    %get3A_7 = vector.load %arg3[%get3A_4, %get3A_5, %get3A_6] : memref<1x8x4096xf32, #tpu.memory_space<vmem>>, vector<1x8x4096xf32>
    %get3A_8 = vector.shape_cast %get3A_7 : vector<1x8x4096xf32> to vector<8x4096xf32>
    %dot_general3A = arith.constant dense<0.000000e+00> : vector<256x4096xf32>
    %dot_general3A_9 = tpu.matmul %get3A_3, %get3A_8, %dot_general3A {dimension_numbers = #tpu.dot_dimension_numbers<[1], [0], [0], [1], [0, 0, 1, 1], [], []>, transpose_lhs_hint = false} : vector<256x8xf32>, vector<8x4096xf32>, vector<256x4096xf32> -> vector<256x4096xf32>
    %mul3A = arith.constant -2.000000e+00 : f32
    %mul3A_10 = vector.broadcast %mul3A : f32 to vector<256x4096xf32>
    %mul3A_11 = arith.mulf %mul3A_10, %dot_general3A_9 : vector<256x4096xf32>
    %get3A_12 = arith.constant 0 : index
    %get3A_13 = arith.constant 0 : index
    %get3A_14 = arith.constant 0 : index
    %get3A_15 = vector.load %arg4[%get3A_12, %get3A_13, %get3A_14] : memref<1x256x1xf32, #tpu.memory_space<vmem>>, vector<1x256x1xf32>
    %get3A_16 = vector.shape_cast %get3A_15 : vector<1x256x1xf32> to vector<256x1xf32>
    %add3A = vector.broadcast %get3A_16 : vector<256x1xf32> to vector<256x4096xf32>
    %add3A_17 = arith.addf %mul3A_11, %add3A : vector<256x4096xf32>
    %get3A_18 = arith.constant 0 : index
    %get3A_19 = arith.constant 0 : index
    %get3A_20 = arith.constant 0 : index
    %get3A_21 = vector.load %arg5[%get3A_18, %get3A_19, %get3A_20] : memref<1x1x4096xf32, #tpu.memory_space<vmem>>, vector<1x1x4096xf32>
    %get3A_22 = vector.shape_cast %get3A_21 : vector<1x1x4096xf32> to vector<1x4096xf32>
    %add3A_23 = vector.broadcast %get3A_22 : vector<1x4096xf32> to vector<256x4096xf32>
    %add3A_24 = arith.addf %add3A_17, %add3A_23 : vector<256x4096xf32>
    %swap3A = arith.constant 0 : index
    %swap3A_25 = arith.constant 0 : index
    %swap3A_26 = vector.load %arg7[%swap3A, %swap3A_25] : memref<256x4096xf32, #tpu.memory_space<vmem>>, vector<256x4096xf32>
    tpu.vector_store %arg7[%swap3A, %swap3A_25], %add3A_24 {strides = array<i32>} : memref<256x4096xf32, #tpu.memory_space<vmem>>, vector<256x4096xf32>,
    %iota3A = tpu.iota {dimensions = array<i32: 1>} : vector<256x4096xi32>
    %scan3A = arith.constant 0 : i32
    %scan3A_27 = arith.constant 16 : i32
    %scan3A_28 = arith.addi %scan3A, %scan3A_27 : i32
    %scan3A_29 = arith.constant 1 : i32
    scf.for %scan3A_31 = %scan3A to %scan3A_28 step %scan3A_29  : i32 {
      %get3A_32 = arith.constant 0 : index
      %get3A_33 = arith.constant 0 : index
      %get3A_34 = vector.load %arg7[%get3A_32, %get3A_33] : memref<256x4096xf32, #tpu.memory_space<vmem>>, vector<256x4096xf32>
      %reduce_min3A = arith.constant dense<0x7F800000> : vector<256xf32>
      %reduce_min3A_35 = vector.multi_reduction <minimumf>, %get3A_34, %reduce_min3A [1] : vector<256x4096xf32> to vector<256xf32>
      %broadcast_in_dim3A = vector.shape_cast %reduce_min3A_35 : vector<256xf32> to vector<256x1xf32>
      %eq3A = vector.broadcast %broadcast_in_dim3A : vector<256x1xf32> to vector<256x4096xf32>
      %eq3A_36 = arith.cmpf oeq, %get3A_34, %eq3A : vector<256x4096xf32>
      %jit3A = arith.constant 4096 : i32
      %broadcast_in_dim3A_37 = vector.broadcast %jit3A : i32 to vector<256x4096xi32>
      %select_n3A = arith.select %eq3A_36, %iota3A, %broadcast_in_dim3A_37 : vector<256x4096xi1>, vector<256x4096xi32>
      %reduce_min3A_38 = arith.constant dense<2147483647> : vector<256xi32>
      %reduce_min3A_39 = vector.multi_reduction <minsi>, %select_n3A, %reduce_min3A_38 [1] : vector<256x4096xi32> to vector<256xi32>
      %broadcast_in_dim3A_40 = vector.shape_cast %reduce_min3A_39 : vector<256xi32> to vector<256x1xi32>
      %eq3A_41 = vector.broadcast %broadcast_in_dim3A_40 : vector<256x1xi32> to vector<256x4096xi32>
      %eq3A_42 = arith.cmpi eq, %iota3A, %eq3A_41 : vector<256x4096xi32>
      %jit3A_43 = arith.constant 0x7F800000 : f32
      %broadcast_in_dim3A_44 = vector.broadcast %jit3A_43 : f32 to vector<256x4096xf32>
      %select_n3A_45 = arith.select %eq3A_42, %broadcast_in_dim3A_44, %get3A_34 : vector<256x4096xi1>, vector<256x4096xf32>
      %swap3A_46 = arith.constant 0 : index
      %swap3A_47 = arith.constant 0 : index
      %swap3A_48 = vector.load %arg7[%swap3A_46, %swap3A_47] : memref<256x4096xf32, #tpu.memory_space<vmem>>, vector<256x4096xf32>
      tpu.vector_store %arg7[%swap3A_46, %swap3A_47], %select_n3A_45 {strides = array<i32>} : memref<256x4096xf32, #tpu.memory_space<vmem>>, vector<256x4096xf32>,
      %reshape3A = vector.shape_cast %broadcast_in_dim3A_40 : vector<256x1xi32> to vector<1x256xi32>
      %swap3A_49 = arith.constant 0 : index
      %swap3A_50 = arith.index_cast %scan3A_31 : i32 to index
      %swap3A_51 = arith.constant 0 : index
      %swap3A_52 = vector.load %arg6[%swap3A_49, %swap3A_50, %swap3A_51] : memref<1x16x256xi32, #tpu.memory_space<vmem>>, vector<1x1x256xi32>
      %swap3A_53 = vector.shape_cast %swap3A_52 : vector<1x1x256xi32> to vector<1x256xi32>
      %swap3A_54 = vector.shape_cast %reshape3A : vector<1x256xi32> to vector<1x1x256xi32>
      tpu.vector_store %arg6[%swap3A_49, %swap3A_50, %swap3A_51], %swap3A_54 {strides = array<i32>} : memref<1x16x256xi32, #tpu.memory_space<vmem>>, vector<1x1x256xi32>,
    }
    %scan3A_30 = arith.constant 16 : i32
    return
  }
  func.func @transform_0(%arg0: i32, %arg1: i32) -> (i32, i32, i32) {
    %c0_i32 = arith.constant 0 : i32
    %c0_i32_0 = arith.constant 0 : i32
    return %arg0, %arg1, %c0_i32 : i32, i32, i32
  }
  func.func @transform_1(%arg0: i32, %arg1: i32) -> (i32, i32, i32) {
    %c0_i32 = arith.constant 0 : i32
    %c0_i32_0 = arith.constant 0 : i32
    %c0_i32_1 = arith.constant 0 : i32
    return %arg0, %c0_i32, %c0_i32_0 : i32, i32, i32
  }
  func.func @transform_2(%arg0: i32, %arg1: i32) -> (i32, i32, i32) {
    %c0_i32 = arith.constant 0 : i32
    %c0_i32_0 = arith.constant 0 : i32
    return %arg0, %arg1, %c0_i32 : i32, i32, i32
  }
  func.func @transform_3(%arg0: i32, %arg1: i32) -> (i32, i32, i32) {
    %c0_i32 = arith.constant 0 : i32
    %c0_i32_0 = arith.constant 0 : i32
    %c0_i32_1 = arith.constant 0 : i32
    return %arg0, %c0_i32, %c0_i32_0 : i32, i32, i32
  }
  func.func @transform_4(%arg0: i32, %arg1: i32) -> (i32, i32, i32) {
    %c0_i32 = arith.constant 0 : i32
    %c0_i32_0 = arith.constant 0 : i32
    return %arg0, %c0_i32, %arg1 : i32, i32, i32
  }
}

module attributes {stable_mosaic.version = 14 : i64} {
  func.func @_attn_body(%arg0: i32, %arg1: i32, %arg2: memref<1x128x128xf32, #tpu.memory_space<vmem>>, %arg3: memref<1x128x128xf32, #tpu.memory_space<vmem>>, %arg4: memref<1x128x16x256xi32, #tpu.memory_space<vmem>>, %arg5: memref<128x128xf32, #tpu.memory_space<vmem>>, %arg6: memref<128xf32, #tpu.memory_space<vmem>>, %arg7: memref<128x128xf32, #tpu.memory_space<vmem>>, %arg8: memref<128xf32, #tpu.memory_space<vmem>>, %arg9: memref<128x128xf32, #tpu.memory_space<vmem>>, %arg10: memref<128xf32, #tpu.memory_space<vmem>>, %arg11: memref<1x128x128xf32, #tpu.memory_space<vmem>>) attributes {dimension_semantics = [#tpu.dimension_semantics<arbitrary>, #tpu.dimension_semantics<arbitrary>], iteration_bounds = array<i64: 4, 32>, scalar_prefetch = 0 : i64, scratch_operands = 0 : i64, tpu.core_type = #tpu.core_type<tc>, window_params = [{transform_indices = @transform_0, window_bounds = array<i64: 1, 128, 128>}, {transform_indices = @transform_1, window_bounds = array<i64: 1, 128, 128>}, {transform_indices = @transform_2, window_bounds = array<i64: 1, 128, 16, 256>}, {pipeline_mode = #tpu.pipeline_mode<synchronous>, transform_indices = @transform_3, window_bounds = array<i64: 128, 128>}, {pipeline_mode = #tpu.pipeline_mode<synchronous>, transform_indices = @transform_4, window_bounds = array<i64: 128>}, {pipeline_mode = #tpu.pipeline_mode<synchronous>, transform_indices = @transform_5, window_bounds = array<i64: 128, 128>}, {pipeline_mode = #tpu.pipeline_mode<synchronous>, transform_indices = @transform_6, window_bounds = array<i64: 128>}, {pipeline_mode = #tpu.pipeline_mode<synchronous>, transform_indices = @transform_7, window_bounds = array<i64: 128, 128>}, {pipeline_mode = #tpu.pipeline_mode<synchronous>, transform_indices = @transform_8, window_bounds = array<i64: 128>}, {transform_indices = @transform_9, window_bounds = array<i64: 1, 128, 128>}]} {
    %get3A = arith.constant 0 : index
    %get3A_0 = arith.constant 0 : index
    %get3A_1 = arith.constant 0 : index
    %get3A_2 = arith.constant 0 : index
    %get3A_3 = vector.load %arg4[%get3A, %get3A_0, %get3A_1, %get3A_2] : memref<1x128x16x256xi32, #tpu.memory_space<vmem>>, vector<1x128x16x256xi32>
    %get3A_4 = vector.shape_cast %get3A_3 : vector<1x128x16x256xi32> to vector<128x16x256xi32>
    %reshape3A = vector.shape_cast %get3A_4 : vector<128x16x256xi32> to vector<2048x256xi32>
    %slice3A = vector.extract_strided_slice %reshape3A {offsets = [0, 0], sizes = [2048, 128], strides = [1, 1]} : vector<2048x256xi32> to vector<2048x128xi32>
    %and3A = arith.constant -65536 : i32
    %and3A_5 = vector.broadcast %and3A : i32 to vector<2048x128xi32>
    %and3A_6 = arith.andi %slice3A, %and3A_5 : vector<2048x128xi32>
    %bitcast_convert_type3A = tpu.bitcast %and3A_6 : vector<2048x128xi32> -> vector<2048x128xf32>
    %shift_left3A = arith.constant 16 : i32
    %shift_left3A_7 = vector.broadcast %shift_left3A : i32 to vector<2048x128xi32>
    %shift_left3A_8 = arith.shli %slice3A, %shift_left3A_7 : vector<2048x128xi32>
    %bitcast_convert_type3A_9 = tpu.bitcast %shift_left3A_8 : vector<2048x128xi32> -> vector<2048x128xf32>
    %slice3A_10 = vector.extract_strided_slice %reshape3A {offsets = [0, 128], sizes = [2048, 128], strides = [1, 1]} : vector<2048x256xi32> to vector<2048x128xi32>
    %bitcast_convert_type3A_11 = tpu.bitcast %slice3A_10 : vector<2048x128xi32> -> vector<2048x128xf32>
    %get3A_12 = arith.constant 0 : index
    %get3A_13 = arith.constant 0 : index
    %get3A_14 = arith.constant 0 : index
    %get3A_15 = vector.load %arg3[%get3A_12, %get3A_13, %get3A_14] : memref<1x128x128xf32, #tpu.memory_space<vmem>>, vector<1x128x128xf32>
    %get3A_16 = vector.shape_cast %get3A_15 : vector<1x128x128xf32> to vector<128x128xf32>
    %reshape3A_17 = vector.shape_cast %get3A_16 : vector<128x128xf32> to vector<128x1x128xf32>
    %broadcast_in_dim3A = vector.shape_cast %reshape3A_17 : vector<128x1x128xf32> to vector<128x1x128xf32>
    %broadcast_in_dim3A_18 = vector.broadcast %broadcast_in_dim3A : vector<128x1x128xf32> to vector<128x16x128xf32>
    %reshape3A_19 = vector.shape_cast %broadcast_in_dim3A_18 : vector<128x16x128xf32> to vector<2048x128xf32>
    %sub3A = arith.subf %reshape3A_19, %bitcast_convert_type3A_11 : vector<2048x128xf32>
    %max3A = arith.constant 0.000000e+00 : f32
    %max3A_20 = vector.broadcast %max3A : f32 to vector<2048x128xf32>
    %max3A_21 = arith.maximumf %sub3A, %max3A_20 : vector<2048x128xf32>
    %get3A_22 = arith.constant 0 : index
    %get3A_23 = arith.constant 0 : index
    %get3A_24 = vector.load %arg5[%get3A_22, %get3A_23] : memref<128x128xf32, #tpu.memory_space<vmem>>, vector<128x128xf32>
    %dot_general3A = arith.constant dense<0.000000e+00> : vector<2048x128xf32>
    %dot_general3A_25 = tpu.matmul %max3A_21, %get3A_24, %dot_general3A {dimension_numbers = #tpu.dot_dimension_numbers<[1], [0], [0], [1], [0, 0, 1, 1], [], []>, transpose_lhs_hint = false} : vector<2048x128xf32>, vector<128x128xf32>, vector<2048x128xf32> -> vector<2048x128xf32>
    %get3A_26 = arith.constant 0 : index
    %get3A_27 = vector.load %arg6[%get3A_26] : memref<128xf32, #tpu.memory_space<vmem>>, vector<128xf32>
    %reshape3A_28 = vector.shape_cast %get3A_27 : vector<128xf32> to vector<1x128xf32>
    %add3A = vector.broadcast %reshape3A_28 : vector<1x128xf32> to vector<2048x128xf32>
    %add3A_29 = arith.addf %dot_general3A_25, %add3A : vector<2048x128xf32>
    %get3A_30 = arith.constant 0 : index
    %get3A_31 = arith.constant 0 : index
    %get3A_32 = vector.load %arg7[%get3A_30, %get3A_31] : memref<128x128xf32, #tpu.memory_space<vmem>>, vector<128x128xf32>
    %dot_general3A_33 = arith.constant dense<0.000000e+00> : vector<2048x128xf32>
    %dot_general3A_34 = tpu.matmul %max3A_21, %get3A_32, %dot_general3A_33 {dimension_numbers = #tpu.dot_dimension_numbers<[1], [0], [0], [1], [0, 0, 1, 1], [], []>, transpose_lhs_hint = false} : vector<2048x128xf32>, vector<128x128xf32>, vector<2048x128xf32> -> vector<2048x128xf32>
    %get3A_35 = arith.constant 0 : index
    %get3A_36 = vector.load %arg8[%get3A_35] : memref<128xf32, #tpu.memory_space<vmem>>, vector<128xf32>
    %reshape3A_37 = vector.shape_cast %get3A_36 : vector<128xf32> to vector<1x128xf32>
    %add3A_38 = vector.broadcast %reshape3A_37 : vector<1x128xf32> to vector<2048x128xf32>
    %add3A_39 = arith.addf %dot_general3A_34, %add3A_38 : vector<2048x128xf32>
    %get3A_40 = arith.constant 0 : index
    %get3A_41 = arith.constant 0 : index
    %get3A_42 = arith.constant 0 : index
    %get3A_43 = vector.load %arg2[%get3A_40, %get3A_41, %get3A_42] : memref<1x128x128xf32, #tpu.memory_space<vmem>>, vector<1x128x128xf32>
    %get3A_44 = vector.shape_cast %get3A_43 : vector<1x128x128xf32> to vector<128x128xf32>
    %reshape3A_45 = vector.shape_cast %get3A_44 : vector<128x128xf32> to vector<128x1x128xf32>
    %broadcast_in_dim3A_46 = vector.shape_cast %reshape3A_45 : vector<128x1x128xf32> to vector<128x1x128xf32>
    %broadcast_in_dim3A_47 = vector.broadcast %broadcast_in_dim3A_46 : vector<128x1x128xf32> to vector<128x16x128xf32>
    %reshape3A_48 = vector.shape_cast %broadcast_in_dim3A_47 : vector<128x16x128xf32> to vector<2048x128xf32>
    %sub3A_49 = arith.subf %reshape3A_48, %bitcast_convert_type3A : vector<2048x128xf32>
    %add3A_50 = arith.addf %sub3A_49, %add3A_39 : vector<2048x128xf32>
    %max3A_51 = arith.constant 0.000000e+00 : f32
    %max3A_52 = vector.broadcast %max3A_51 : f32 to vector<2048x128xf32>
    %max3A_53 = arith.maximumf %add3A_50, %max3A_52 : vector<2048x128xf32>
    %get3A_54 = arith.constant 0 : index
    %get3A_55 = arith.constant 0 : index
    %get3A_56 = vector.load %arg9[%get3A_54, %get3A_55] : memref<128x128xf32, #tpu.memory_space<vmem>>, vector<128x128xf32>
    %dot_general3A_57 = arith.constant dense<0.000000e+00> : vector<2048x128xf32>
    %dot_general3A_58 = tpu.matmul %max3A_53, %get3A_56, %dot_general3A_57 {dimension_numbers = #tpu.dot_dimension_numbers<[1], [0], [0], [1], [0, 0, 1, 1], [], []>, transpose_lhs_hint = false} : vector<2048x128xf32>, vector<128x128xf32>, vector<2048x128xf32> -> vector<2048x128xf32>
    %get3A_59 = arith.constant 0 : index
    %get3A_60 = vector.load %arg10[%get3A_59] : memref<128xf32, #tpu.memory_space<vmem>>, vector<128xf32>
    %reshape3A_61 = vector.shape_cast %get3A_60 : vector<128xf32> to vector<1x128xf32>
    %add3A_62 = vector.broadcast %reshape3A_61 : vector<1x128xf32> to vector<2048x128xf32>
    %add3A_63 = arith.addf %dot_general3A_58, %add3A_62 : vector<2048x128xf32>
    %reshape3A_64 = vector.shape_cast %add3A_63 : vector<2048x128xf32> to vector<128x16x128xf32>
    %reduce_max3A = arith.constant dense<0xFF800000> : vector<128x128xf32>
    %reduce_max3A_65 = vector.multi_reduction <maximumf>, %reshape3A_64, %reduce_max3A [1] : vector<128x16x128xf32> to vector<128x128xf32>
    %broadcast_in_dim3A_66 = vector.shape_cast %reduce_max3A_65 : vector<128x128xf32> to vector<128x1x128xf32>
    %sub3A_67 = vector.broadcast %broadcast_in_dim3A_66 : vector<128x1x128xf32> to vector<128x16x128xf32>
    %sub3A_68 = arith.subf %reshape3A_64, %sub3A_67 : vector<128x16x128xf32>
    %exp3A = math.exp %sub3A_68 : vector<128x16x128xf32>
    %reduce_sum3A = arith.constant dense<0.000000e+00> : vector<128x128xf32>
    %reduce_sum3A_69 = vector.multi_reduction <add>, %exp3A, %reduce_sum3A [1] : vector<128x16x128xf32> to vector<128x128xf32>
    %broadcast_in_dim3A_70 = vector.shape_cast %reduce_sum3A_69 : vector<128x128xf32> to vector<128x1x128xf32>
    %div3A = vector.broadcast %broadcast_in_dim3A_70 : vector<128x1x128xf32> to vector<128x16x128xf32>
    %div3A_71 = arith.divf %exp3A, %div3A : vector<128x16x128xf32>
    %add3A_72 = arith.addf %bitcast_convert_type3A_9, %add3A_29 : vector<2048x128xf32>
    %reshape3A_73 = vector.shape_cast %add3A_72 : vector<2048x128xf32> to vector<128x16x128xf32>
    %mul3A = arith.mulf %div3A_71, %reshape3A_73 : vector<128x16x128xf32>
    %reduce_sum3A_74 = arith.constant dense<0.000000e+00> : vector<128x128xf32>
    %reduce_sum3A_75 = vector.multi_reduction <add>, %mul3A, %reduce_sum3A_74 [1] : vector<128x16x128xf32> to vector<128x128xf32>
    %swap3A = arith.constant 0 : index
    %swap3A_76 = arith.constant 0 : index
    %swap3A_77 = arith.constant 0 : index
    %swap3A_78 = vector.load %arg11[%swap3A, %swap3A_76, %swap3A_77] : memref<1x128x128xf32, #tpu.memory_space<vmem>>, vector<1x128x128xf32>
    %swap3A_79 = vector.shape_cast %swap3A_78 : vector<1x128x128xf32> to vector<128x128xf32>
    %swap3A_80 = vector.shape_cast %reduce_sum3A_75 : vector<128x128xf32> to vector<1x128x128xf32>
    tpu.vector_store %arg11[%swap3A, %swap3A_76, %swap3A_77], %swap3A_80 {strides = array<i32>} : memref<1x128x128xf32, #tpu.memory_space<vmem>>, vector<1x128x128xf32>,
    return
  }
  func.func @transform_0(%arg0: i32, %arg1: i32) -> (i32, i32, i32) {
    %c0_i32 = arith.constant 0 : i32
    %c0_i32_0 = arith.constant 0 : i32
    return %arg0, %arg1, %c0_i32 : i32, i32, i32
  }
  func.func @transform_1(%arg0: i32, %arg1: i32) -> (i32, i32, i32) {
    %c0_i32 = arith.constant 0 : i32
    %c0_i32_0 = arith.constant 0 : i32
    return %arg0, %arg1, %c0_i32 : i32, i32, i32
  }
  func.func @transform_2(%arg0: i32, %arg1: i32) -> (i32, i32, i32, i32) {
    %c0_i32 = arith.constant 0 : i32
    %c0_i32_0 = arith.constant 0 : i32
    %c0_i32_1 = arith.constant 0 : i32
    return %arg0, %arg1, %c0_i32, %c0_i32_0 : i32, i32, i32, i32
  }
  func.func @transform_3(%arg0: i32, %arg1: i32) -> (i32, i32) {
    %c0_i32 = arith.constant 0 : i32
    %c0_i32_0 = arith.constant 0 : i32
    %c0_i32_1 = arith.constant 0 : i32
    return %c0_i32, %c0_i32_0 : i32, i32
  }
  func.func @transform_4(%arg0: i32, %arg1: i32) -> i32 {
    %c0_i32 = arith.constant 0 : i32
    %c0_i32_0 = arith.constant 0 : i32
    return %c0_i32 : i32
  }
  func.func @transform_5(%arg0: i32, %arg1: i32) -> (i32, i32) {
    %c0_i32 = arith.constant 0 : i32
    %c0_i32_0 = arith.constant 0 : i32
    %c0_i32_1 = arith.constant 0 : i32
    return %c0_i32, %c0_i32_0 : i32, i32
  }
  func.func @transform_6(%arg0: i32, %arg1: i32) -> i32 {
    %c0_i32 = arith.constant 0 : i32
    %c0_i32_0 = arith.constant 0 : i32
    return %c0_i32 : i32
  }
  func.func @transform_7(%arg0: i32, %arg1: i32) -> (i32, i32) {
    %c0_i32 = arith.constant 0 : i32
    %c0_i32_0 = arith.constant 0 : i32
    %c0_i32_1 = arith.constant 0 : i32
    return %c0_i32, %c0_i32_0 : i32, i32
  }
  func.func @transform_8(%arg0: i32, %arg1: i32) -> i32 {
    %c0_i32 = arith.constant 0 : i32
    %c0_i32_0 = arith.constant 0 : i32
    return %c0_i32 : i32
  }
  func.func @transform_9(%arg0: i32, %arg1: i32) -> (i32, i32, i32) {
    %c0_i32 = arith.constant 0 : i32
    %c0_i32_0 = arith.constant 0 : i32
    return %arg0, %arg1, %c0_i32 : i32, i32, i32
  }
}

</mosaic_0001>

<sc_bundles>
// kernel: kernel.5.cloned.1.call-start
scs
__scs_entry_jumppad:
0x0: {  	(pc) =	sbr.rel $0x88, $3  }
0x1: {  	(tag) =	ssettag $0x0;
	lr =	simm.s32 $0x1  }
0x2: {  	[smem:$0x3F91] =	sst lr;
	_ =	strace $0xD0000000  }
0x3: {  	_ = 	snop  }
0x4: {  	_ = 	snop  }
0x5: {  	_ = 	snop  }
0x6: {  	_ = 	snop  }
0x7: {  	_ = 	snop  }
__scs_overlays_trampoline_lowered:
0x8: {  	[smem:$0x3FA0] =	sst s0  }
0x9: {  	[smem:$0x3FA1] =	sst s1  }
0xa: {  	[smem:$0x3FA2] =	sst s2  }
0xb: {  	[smem:$0x3FA3] =	sst s3  }
0xc: {  	[smem:$0x3FA4] =	sst s4  }
0xd: {  	[smem:$0x3FA5] =	sst s5  }
0xe: {  	[smem:$0x3FA6] =	sst s6  }
0xf: {  	[smem:$0x3FA7] =	sst s7  }
0x10: {  	[smem:$0x3FA8] =	sst s8  }
0x11: {  	[smem:$0x3FA9] =	sst s9;
	s0 =	simm.s32 @!p0 $0x0  }
0x12: {  	s1 =	sld [smem:$0x3F8F];
	s0 =	simm.s32 @p0 $0x1  }
0x13: {  	[smem:$0x3FAA] =	sst s0;
	s0 =	simm.s32 @!p1 $0x0  }
0x14: {  	s2 =	sld [smem:$0x3F8E];
	s0 =	simm.s32 @p1 $0x1  }
0x15: {  	[smem:$0x3FAB] =	sst s0;
	s0 =	simm.s32 @!p2 $0x0  }
0x16: {  	s3 =	sld [smem:$0x3FDB];
	s0 =	simm.s32 @p2 $0x1  }
0x17: {  	s4 =	simm.s32 $0x1BF5;
	[smem:$0x3FAD] =	sst s0  }
0x18: {  	s0 =	sld [smem:$0x3F90];
	_ =	swait.ge [sflag:s4], $0x0  }
0x19: {  	s7 =	sld [smem:$0x3F91]  }
0x1a: {  	s8 =	sadd.s32 $0xFFFFE003, lr  }
0x1b: {  	s9 =	sadd.s32 $0xFFFFFEF7, lr;
	s5 =	simm.s32 $0xFFFFFFFF;
	p2 =	slt.u32 s8, $0xFFFFF086  }
0x1c: {  	p1 =	slt.u32 s9, $0xF7A;
	s5 =	simm.s32 @!p2 $0x0  }
0x1d: {  	s5 =	simm.s32 @p1 $0x1;
	p0 =	seq.s32 s7, s2  }
0x1e: {  	s7 =	smul.u32 @!p0 $0xF7A, s2;
	p2 =	seq.s32 @!p0 s5, $0x0  }
0x1f: {  	s9 =	smul.u32 $0xF7A, s1;
	s8 =	simm.s32 @!p0 $0x1BF5;
	p2 =	por !p2, p0  }
0x20: {  	[sflag:s8] =	ssyncset.s32 @!p0 $0xFFFFF086;
	s6 =	sadd.s32 @!p0 s3, s7;
	s7 =	simm.s32 @!p0 $0x108  }
0x21: {  	s3 =	sadd.s32 s3, s9;
	s6 =	sadd.s32 @!p0 $0x88, s6;
	s7 =	simm.s32 @p2 $0x1082  }
0x22: {  	[simem:s7], [sflag:s8] =	dma.local @!p0 [hbm:s6], $0xF7A  }
0x23: {  	s9 =	sor.u32 $0xD0000000, s2;
	s6 =	simm.s32 $0x108;
	_ =	swait.ge @!p0 [sflag:s8], $0x0  }
0x24: {  	s3 =	sadd.s32 $0x88, s3;
	s6 =	simm.s32 @!p1 $0x1082;
	[sflag:s4] =	ssyncset.s32 $0xFFFFF086  }
0x25: {  	[simem:s6], [sflag:s4] =	dma.local [hbm:s3], $0xF7A  }
0x26: {  	[smem:$0x3F91] =	sst s1;
	(tag) =	ssettag s2;
	_ =	strace s9  }
0x27: {  	s1 =	sld [smem:$0x3FA1]  }
0x28: {  	s2 =	sld [smem:$0x3FA2]  }
0x29: {  	s4 =	sld [smem:$0x3FA4]  }
0x2a: {  	p0 =	seq.s32 s5, $0x0;
	s5 =	sld [smem:$0x3FA5]  }
0x2b: {  	s6 =	sld [smem:$0x3FA6]  }
0x2c: {  	s7 =	sld [smem:$0x3FA7]  }
0x2d: {  	s3 =	simm.s32 $0x108;
	s8 =	sld [smem:$0x3FA8]  }
0x2e: {  	s3 =	simm.s32 @!p0 $0x1082;
	s9 =	sld [smem:$0x3FA9]  }
0x2f: {  	lr =	sadd.s32 s0, s3;
	s0 =	sld [smem:$0x3FA0]  }
0x30: {  	s3 =	sld [smem:$0x3FA3]  }
0x31: {  	[smem:$0x3FAC] =	sst s10  }
0x32: {  	s10 =	sld [smem:$0x3FAA];
	_ =	sdelay $0x3  }
0x33: {  	p0 =	seq.s32 s10, $0x1;
	s10 =	sld [smem:$0x3FAC];
	_ =	sdelay $0x3  }
0x34: {  	[smem:$0x3FAC] =	sst s10  }
0x35: {  	s10 =	sld [smem:$0x3FAB];
	_ =	sdelay $0x3  }
0x36: {  	p1 =	seq.s32 s10, $0x1;
	s10 =	sld [smem:$0x3FAC];
	_ =	sdelay $0x3  }
0x37: {  	[smem:$0x3FAC] =	sst s10  }
0x38: {  	s10 =	sld [smem:$0x3FAD]  }
0x39: {  	_ = 	snop;
	(pc) =	sbr.ind lr, $3  }
0x3a: {  	_ = 	snop  }
0x3b: {  	_ = 	snop  }
0x3c: {  	p2 =	seq.s32 s10, $0x1;
	s10 =	sld [smem:$0x3FAC]  }
0x3d: {  	_ =	shalt  }
0x3e: {  	_ =	shalt  }
0x3f: {  	_ =	shalt  }
0x40: {  	_ =	shalt  }
0x41: {  	_ =	shalt  }
0x42: {  	_ =	shalt  }
0x43: {  	_ =	shalt  }
0x44: {  	_ =	shalt  }
0x45: {  	_ =	shalt  }
0x46: {  	_ =	shalt  }
0x47: {  	_ =	shalt  }
0x48: {  	_ =	shalt  }
0x49: {  	_ =	shalt  }
0x4a: {  	_ =	shalt  }
0x4b: {  	_ =	shalt  }
0x4c: {  	_ =	shalt  }
0x4d: {  	_ =	shalt  }
0x4e: {  	_ =	shalt  }
0x4f: {  	_ =	shalt  }
0x50: {  	_ =	shalt  }
0x51: {  	_ =	shalt  }
0x52: {  	_ =	shalt  }
0x53: {  	_ =	shalt  }
0x54: {  	_ =	shalt  }
0x55: {  	_ =	shalt  }
0x56: {  	_ =	shalt  }
0x57: {  	_ =	shalt  }
0x58: {  	_ =	shalt  }
0x59: {  	_ =	shalt  }
0x5a: {  	_ =	shalt  }
0x5b: {  	_ =	shalt  }
0x5c: {  	_ =	shalt  }
0x5d: {  	_ =	shalt  }
0x5e: {  	_ =	shalt  }
0x5f: {  	_ =	shalt  }
0x60: {  	_ =	shalt  }
0x61: {  	_ =	shalt  }
0x62: {  	_ =	shalt  }
0x63: {  	_ =	shalt  }
0x64: {  	_ =	shalt  }
0x65: {  	_ =	shalt  }
0x66: {  	_ =	shalt  }
0x67: {  	_ =	shalt  }
0x68: {  	_ =	shalt  }
0x69: {  	_ =	shalt  }
0x6a: {  	_ =	shalt  }
0x6b: {  	_ =	shalt  }
0x6c: {  	_ =	shalt  }
0x6d: {  	_ =	shalt  }
0x6e: {  	_ =	shalt  }
0x6f: {  	_ =	shalt  }
0x70: {  	_ =	shalt  }
0x71: {  	_ =	shalt  }
0x72: {  	_ =	shalt  }
0x73: {  	_ =	shalt  }
0x74: {  	_ =	shalt  }
0x75: {  	_ =	shalt  }
0x76: {  	_ =	shalt  }
0x77: {  	_ =	shalt  }
0x78: {  	_ =	shalt  }
0x79: {  	_ =	shalt  }
0x7a: {  	_ =	shalt  }
0x7b: {  	_ =	shalt  }
0x7c: {  	_ =	shalt  }
0x7d: {  	_ =	shalt  }
0x7e: {  	_ =	shalt  }
0x7f: {  	_ =	shalt  }
0x80: {  	_ =	shalt  }
0x81: {  	_ =	shalt  }
0x82: {  	_ =	shalt  }
0x83: {  	_ =	shalt  }
0x84: {  	_ =	shalt  }
0x85: {  	_ =	shalt  }
0x86: {  	_ =	shalt  }
0x87: {  	_ =	shalt  }
.Lfunc_end0:
.L_simem_size_0:
called_computation_lowered:
.L_overlay_start_0:
0x88: {  	s2 =	sld [smem:$0x3FD9]  }
0x89: {  	s3 =	sld [smem:$0x3FFE];
	_ =	sdelay $0x1  }
0x8a: {  	s1 =	srdreg.scid  }
0x8b: {  	s0 =	sand.u32 $0x1, s1  }
0x8c: {  	s16 =	sshll.u32 s0, $0xA;
	s2 =	sadd.s32 s3, s2  }
0x8d: {  	s2 =	sadd.s32 s2, s16  }
0x8e: {  	[smem:$0x3FB8] =	sst s2  }
0x8f: {  	_ = 	snop  }
0x90: {  	(tm) =	ssettm $0x1  }
0x91: {  	s17 =	sld [smem:$0x3FFB];
	_ =	sdelay $0x3  }
0x92: {  	_ =	strace s17  }
0x93: {  	s2 =	sld [smem:$0x3FFC];
	_ =	sdelay $0x3  }
0x94: {  	_ =	strace s2  }
0x95: {  	s2 =	sld [smem:$0x3FFD];
	_ =	sdelay $0x3  }
0x96: {  	_ =	strace s2  }
0x97: {  	_ =	strace $0x8FFFFFFF  }
0x98: {  	s18 =	sld [smem:$0x3FDB];
	_ =	sdelay $0x1  }
0x99: {  	s19 =	simm.s32 $_scs_section_size  }
0x9a: {  	s4 =	simm.s32 $_size__tile_overlayer_lowered;
	s5 =	simm.s32 $_tile_overlayer_lowered  }
0x9b: {  	s22 =	simm.s32 $0x1BFF;
	s21 =	sshll.u32 s5, $0x1;
	s2 =	sadd.s32 s19, s18  }
0x9c: {  	s6 =	simm.s32 $0x0;
	s20 =	sshll.u32 s4, $0x1;
	s4 =	sadd.s32 s21, s2  }
0x9d: {  	[timem:s6], [sflag:s22] =	dma.local [hbm:s4], s20  }
0x9e: {  	_ =	swait.ge [sflag:s22], s20  }
0x9f: {  	s3 =	ssub.s32 $0x0, s20;
	[sflag:s22] =	ssyncset.done $0x0  }
0xa0: {  	[sflag:s22] =	ssyncadd.s32 s3;
	_ =	sdelay $0x1  }
0xa1: {  	s23 =	simm.s32 $0x1B8B  }
0xa2: {  	_ =	swait.ge [sflag:s23], $0x1  }
0xa3: {  	[sflag:s23] =	ssyncset.done $0x0  }
0xa4: {  	s25 =	simm.s32 $0x1B8E;
	s24 =	sld [smem:$0x3FFE];
	[sflag:s23] =	ssyncadd.s32 $0xFFFFFFFF  }
0xa5: {  	s26 =	simm.s32 $execute0_lowered;
	[smem:$0x3FD2] =	sst s25  }
0xa6: {  	s4 =	sshll.u32 s26, $0x1;
	_ =	strace $0x80000046;
	[dreg:$0x1] =	wrdreg $0xFFFFFFFF  }
0xa7: {  	s28 =	simm.s32 $_size_execute0_lowered;
	s2 =	sadd.s32 s2, s4;
	[dreg:$0x0] =	wrdreg $0x0  }
0xa8: {  	s4 =	sshll.u32 s28, $0x1;
	[dreg:$0x2] =	wrdreg s2  }
0xa9: {  	[dreg:$0x3] =	wrdreg s4  }
0xaa: {  	[dreg:$0x4] =	wrdreg $0xC0  }
0xab: {  	_ =	task [dreg:s6], $0x5FFFF  }
0xac: {  	[dreg:$0x1] =	wrdreg $0xFFFFFFFF  }
0xad: {  	[dreg:$0x0] =	wrdreg $0x60  }
0xae: {  	[dreg:$0x2] =	wrdreg s24  }
0xaf: {  	[dreg:$0x3] =	wrdreg $0x9  }
0xb0: {  	_ =	task.clear_ibuf [dreg:s6], $0x4FFFF;
	_ =	strace $0x90000046  }
0xb1: {  	s29 =	simm.s32 $0x9;
	_ =	strace $0x80000048  }
0xb2: {  	_ =	swait.ge [sflag:s29], $0x1  }
0xb3: {  	[sflag:s29] =	ssyncadd.s32 $0xFFFFFFFF  }
0xb4: {  	_ =	strace $0x90000048  }
0xb5: {  	_ =	sfence  }
0xb6: {  	s30 =	sld [smem:$0x0];
	_ =	sdelay $0x2  }
0xb7: {  	s31 =	sshll.u32 s1, $0xD;
	s1 =	sshrl.u32 s1, $0x2  }
0xb8: {  	s3 =	sand.u32 $0x4000, s31;
	s1 =	sadd.s32 s1, s30  }
0xb9: {  	s0 =	sor.u32 s3, s0;
	s1 =	sshll.u32 s1, $0x11  }
0xba: {  	s0 =	sor.u32 s1, s0  }
0xbb: {  	s0 =	sadd.s32 $0x8F2B, s0  }
0xbc: {  	[sflag:s0] =	ssyncadd.remote.s32 $0x1  }
0xbd: {  	_ =	sfence.sel $0xFFFF  }
0xbe: {  	[dreg:$0x0] =	wrdreg $0xFFFFFFFF;
	(pc) =	sbr.abs _section_cstart, $3  }
0xbf: {  	[dreg:$0x1] =	wrdreg $0xFFFFFFFF  }
0xc0: {  	_ =	task.clear_ibuf [dreg:s6], $0x2FFFF;
	_ =	strace $0x9FFFFFFF  }
0xc1: {  	(tm) =	ssettm $0x7FFFFFFF  }
tec
execute0_lowered:
.L_overlay_start_1:
0x0: {  	(tag) =	ssettag $0x1  }
0x1: {  	s4 =	rddreg [dreg:$0x0]  }
0x2: {  	s0 =	rddreg [dreg:$0x1];
	s2 =	simm.s32 $0x0;
	s3 =	srdreg.scid  }
0x3: {  	s1 =	stileid.u32;
	s10 =	simm.s32 $0x1080;
	s11 =	simm.s32 $0x1880  }
0x4: {  	s12 =	simm.s32 $0x2080;
	s13 =	simm.s32 $0x2880;
	s14 =	simm.s32 $0x3080  }
0x5: {  	s15 =	simm.s32 $0x3880;
	s16 =	simm.s32 $0x4080;
	s17 =	simm.s32 $0x4880  }
0x6: {  	s18 =	simm.s32 $0x5080;
	s19 =	simm.s32 $0x5880;
	s20 =	simm.s32 $0x6080  }
0x7: {  	s21 =	simm.s32 $0x6880;
	s22 =	simm.s32 $0x7080;
	s23 =	simm.s32 $0x7880  }
0x8: {  	s24 =	simm.s32 $0x1;
	s25 =	simm.s32 $0x0;
	[smem:$0x7FF] =	sst s2  }
0x9: {  	s5 =	sand.u32 $0x1, s3;
	s6 =	sshll.u32 s1, $0xE;
	s3 =	sadd.s32 $0x4A600, s4  }
0xa: {  	s8 =	sshll.u32 s1, $0x13;
	_ =	strace $0x80000047;
	s7 =	sshll.u32 s5, $0xD  }
0xb: {  	s31 =	ssub.s32 $0x2, s5;
	s8 =	sadd.s32 s8, s4;
	s5 =	sshll.u32 s5, $0x12  }
0xc: {  	s6 =	sor.u32 s7, s6;
	s9 =	sshrl.u32 s31, $0x1;
	s5 =	sadd.s32 s5, s8  }
0xd: {  	v2 =	vlaneseq.u32;
	s8 =	simm.s32 $0x80;
	s6 =	sshrl.u32 s6, $0x3;
	s7 =	ssub.s32 s31, s9  }
0xe: {  	vm0 =	vmmov $0xffff;
	v1 =	vshrl.u32 v2, $0x3;
	s5 =	sadd.s32 $0xCA600, s5;
	s9 =	simm.s32 $0x880;
	s6 =	sadd.s32 s6, s4  }
0xf: {  	v0 =	vand.u32 $0x7, v2;
	v2 =	vor.u32 $0x8, v2;
	v1 =	vmul.u32 $0x8, v1;
	s4 =	smax.u32 s7, $0x1;
	s7 =	simm.s32 $0x2;
	s6 =	sadd.s32 $0x2600, s6  }
.LBB2_1:
0x10: {  	s26 =	smov.u32 s5;
	s28 =	simm.s32 $0x0  }
.LBB2_2:
0x11: {  	s29 =	sadd.s32 s28, s6  }
0x12: {  	[tilespmem:s2], [sflag:$0x2] =	stream.linear.gather [hbm4b:s29+s2], $0x80, $0x38;
	[tilespmem:$0x8080] =	vst v63  }
0x13: {  	_ =	swait.ge [sflag:s7], $0x80  }
0x14: {  	[sflag:s7] =	ssyncset.done $0x0  }
0x15: {  	[sflag:s7] =	ssyncadd.s32 $0xFFFFFF80  }
0x16: {  	v3 =	vld [tilespmem:$0x0];
	_ =	sdelay $0x4  }
0x17: {  	v4 =	vshll.u32 v3, $0x1  }
0x18: {  	v3 =	vand.u32 $0x7, v3;
	v4 =	vand.u32 $0xFFFFFFF0, v4  }
0x19: {  	v3 =	vor.u32 v3, v4  }
0x1a: {  	v4 =	vperm.xlane v3, v0;
	_ =	sdelay $0x1  }
0x1b: {  	v3 =	vperm.xlane v3, v2;
	v4 =	vadd.s32 v1, v4;
	_ =	sdelay $0x1  }
0x1c: {  	v3 =	vadd.s32 v1, v3;
	_ =	sdelay $0x2  }
0x1d: {  	[tilespmem:s8], [sflag:$0x1] =	stream.indirect_vreg.gather [hbm4b:s3+s2], $0x80, v4, vm0, $0xb8;
	[tilespmem:$0x8080] =	vst v63  }
0x1e: {  	_ = 	snop  }
0x1f: {  	[tilespmem:s9], [sflag:$0x1] =	stream.indirect_vreg.gather [hbm4b:s3+s2], $0x80, v3, vm0, $0xb8;
	[tilespmem:$0x8080] =	vst v63  }
0x20: {  	v3 =	vld [tilespmem:$0x10];
	_ =	sdelay $0x4  }
0x21: {  	v57 =	vshll.u32 v3, $0x1  }
0x22: {  	v3 =	vand.u32 $0x7, v3;
	v4 =	vand.u32 $0xFFFFFFF0, v57  }
0x23: {  	v3 =	vor.u32 v3, v4  }
0x24: {  	v4 =	vperm.xlane v3, v0;
	_ =	sdelay $0x1  }
0x25: {  	v3 =	vperm.xlane v3, v2;
	v4 =	vadd.s32 v1, v4;
	_ =	sdelay $0x1  }
0x26: {  	v3 =	vadd.s32 v1, v3;
	_ =	sdelay $0x2  }
0x27: {  	[tilespmem:s10], [sflag:$0x1] =	stream.indirect_vreg.gather [hbm4b:s3+s2], $0x80, v4, vm0, $0xb8;
	[tilespmem:$0x8080] =	vst v63  }
0x28: {  	_ = 	snop  }
0x29: {  	[tilespmem:s11], [sflag:$0x1] =	stream.indirect_vreg.gather [hbm4b:s3+s2], $0x80, v3, vm0, $0xb8;
	[tilespmem:$0x8080] =	vst v63  }
0x2a: {  	v3 =	vld [tilespmem:$0x20];
	_ =	sdelay $0x4  }
0x2b: {  	v58 =	vshll.u32 v3, $0x1  }
0x2c: {  	v3 =	vand.u32 $0x7, v3;
	v4 =	vand.u32 $0xFFFFFFF0, v58  }
0x2d: {  	v3 =	vor.u32 v3, v4  }
0x2e: {  	v4 =	vperm.xlane v3, v0;
	_ =	sdelay $0x1  }
0x2f: {  	v3 =	vperm.xlane v3, v2;
	v4 =	vadd.s32 v1, v4;
	_ =	sdelay $0x1  }
0x30: {  	v3 =	vadd.s32 v1, v3;
	_ =	sdelay $0x2  }
0x31: {  	[tilespmem:s12], [sflag:$0x1] =	stream.indirect_vreg.gather [hbm4b:s3+s2], $0x80, v4, vm0, $0xb8;
	[tilespmem:$0x8080] =	vst v63  }
0x32: {  	_ = 	snop  }
0x33: {  	[tilespmem:s13], [sflag:$0x1] =	stream.indirect_vreg.gather [hbm4b:s3+s2], $0x80, v3, vm0, $0xb8;
	[tilespmem:$0x8080] =	vst v63  }
0x34: {  	v3 =	vld [tilespmem:$0x30];
	_ =	sdelay $0x4  }
0x35: {  	v59 =	vshll.u32 v3, $0x1  }
0x36: {  	v3 =	vand.u32 $0x7, v3;
	v4 =	vand.u32 $0xFFFFFFF0, v59  }
0x37: {  	v3 =	vor.u32 v3, v4  }
0x38: {  	v4 =	vperm.xlane v3, v0;
	_ =	sdelay $0x1  }
0x39: {  	v3 =	vperm.xlane v3, v2;
	v4 =	vadd.s32 v1, v4;
	_ =	sdelay $0x1  }
0x3a: {  	v3 =	vadd.s32 v1, v3;
	_ =	sdelay $0x2  }
0x3b: {  	[tilespmem:s14], [sflag:$0x1] =	stream.indirect_vreg.gather [hbm4b:s3+s2], $0x80, v4, vm0, $0xb8;
	[tilespmem:$0x8080] =	vst v63  }
0x3c: {  	_ = 	snop  }
0x3d: {  	[tilespmem:s15], [sflag:$0x1] =	stream.indirect_vreg.gather [hbm4b:s3+s2], $0x80, v3, vm0, $0xb8;
	[tilespmem:$0x8080] =	vst v63  }
0x3e: {  	v3 =	vld [tilespmem:$0x40];
	_ =	sdelay $0x4  }
0x3f: {  	v60 =	vshll.u32 v3, $0x1  }
0x40: {  	v3 =	vand.u32 $0x7, v3;
	v4 =	vand.u32 $0xFFFFFFF0, v60  }
0x41: {  	v3 =	vor.u32 v3, v4  }
0x42: {  	v4 =	vperm.xlane v3, v0;
	_ =	sdelay $0x1  }
0x43: {  	v3 =	vperm.xlane v3, v2;
	v4 =	vadd.s32 v1, v4;
	_ =	sdelay $0x1  }
0x44: {  	v3 =	vadd.s32 v1, v3;
	_ =	sdelay $0x2  }
0x45: {  	[tilespmem:s16], [sflag:$0x1] =	stream.indirect_vreg.gather [hbm4b:s3+s2], $0x80, v4, vm0, $0xb8;
	[tilespmem:$0x8080] =	vst v63  }
0x46: {  	_ = 	snop  }
0x47: {  	[tilespmem:s17], [sflag:$0x1] =	stream.indirect_vreg.gather [hbm4b:s3+s2], $0x80, v3, vm0, $0xb8;
	[tilespmem:$0x8080] =	vst v63  }
0x48: {  	v3 =	vld [tilespmem:$0x50];
	_ =	sdelay $0x4  }
0x49: {  	v61 =	vshll.u32 v3, $0x1  }
0x4a: {  	v3 =	vand.u32 $0x7, v3;
	v4 =	vand.u32 $0xFFFFFFF0, v61  }
0x4b: {  	v3 =	vor.u32 v3, v4  }
0x4c: {  	v4 =	vperm.xlane v3, v0;
	_ =	sdelay $0x1  }
0x4d: {  	v3 =	vperm.xlane v3, v2;
	v4 =	vadd.s32 v1, v4;
	_ =	sdelay $0x1  }
0x4e: {  	v3 =	vadd.s32 v1, v3;
	_ =	sdelay $0x2  }
0x4f: {  	[tilespmem:s18], [sflag:$0x1] =	stream.indirect_vreg.gather [hbm4b:s3+s2], $0x80, v4, vm0, $0xb8;
	[tilespmem:$0x8080] =	vst v63  }
0x50: {  	_ = 	snop  }
0x51: {  	[tilespmem:s19], [sflag:$0x1] =	stream.indirect_vreg.gather [hbm4b:s3+s2], $0x80, v3, vm0, $0xb8;
	[tilespmem:$0x8080] =	vst v63  }
0x52: {  	v3 =	vld [tilespmem:$0x60];
	_ =	sdelay $0x4  }
0x53: {  	v62 =	vshll.u32 v3, $0x1  }
0x54: {  	v3 =	vand.u32 $0x7, v3;
	v4 =	vand.u32 $0xFFFFFFF0, v62  }
0x55: {  	v3 =	vor.u32 v3, v4  }
0x56: {  	v4 =	vperm.xlane v3, v0;
	_ =	sdelay $0x1  }
0x57: {  	v3 =	vperm.xlane v3, v2;
	v4 =	vadd.s32 v1, v4;
	_ =	sdelay $0x1  }
0x58: {  	v3 =	vadd.s32 v1, v3;
	_ =	sdelay $0x2  }
0x59: {  	[tilespmem:s20], [sflag:$0x1] =	stream.indirect_vreg.gather [hbm4b:s3+s2], $0x80, v4, vm0, $0xb8;
	[tilespmem:$0x8080] =	vst v63  }
0x5a: {  	_ = 	snop  }
0x5b: {  	[tilespmem:s21], [sflag:$0x1] =	stream.indirect_vreg.gather [hbm4b:s3+s2], $0x80, v3, vm0, $0xb8;
	[tilespmem:$0x8080] =	vst v63  }
0x5c: {  	v3 =	vld [tilespmem:$0x70];
	_ =	sdelay $0x4  }
0x5d: {  	v63 =	vshll.u32 v3, $0x1  }
0x5e: {  	v3 =	vand.u32 $0x7, v3;
	v4 =	vand.u32 $0xFFFFFFF0, v63  }
0x5f: {  	v3 =	vor.u32 v3, v4  }
0x60: {  	v4 =	vperm.xlane v3, v0;
	_ =	sdelay $0x1  }
0x61: {  	v3 =	vperm.xlane v3, v2;
	v4 =	vadd.s32 v1, v4;
	_ =	sdelay $0x1  }
0x62: {  	v3 =	vadd.s32 v1, v3;
	_ =	sdelay $0x2  }
0x63: {  	[tilespmem:s22], [sflag:$0x1] =	stream.indirect_vreg.gather [hbm4b:s3+s2], $0x80, v4, vm0, $0xb8;
	[tilespmem:$0x8080] =	vst v63  }
0x64: {  	_ = 	snop  }
0x65: {  	[tilespmem:s23], [sflag:$0x1] =	stream.indirect_vreg.gather [hbm4b:s3+s2], $0x80, v3, vm0, $0xb8;
	[tilespmem:$0x8080] =	vst v63  }
0x66: {  	_ =	swait.ge [sflag:s24], $0x8000  }
0x67: {  	p0 =	sne.s32 s28, $0x3F0;
	[sflag:s24] =	ssyncset.done $0x0  }
.Ltmp0:
0x68: {  	[sflag:s24] =	ssyncadd.s32 $0xFFFF8000;
	(pc) =	sbr.rel @p0 .LBB2_2-.Ltmp0, $4  }
0x69: {  	[hbm4b:s26+s2] =	stream.linear.scatter [tilespmem:s8], [sflag:$0x2], $0x8000, $0x38;
	[tilespmem:$0x8080] =	vst v63  }
0x6a: {  	_ =	swait.ge [sflag:s7], $0x8000  }
0x6b: {  	[sflag:s7] =	ssyncset.done $0x0  }
0x6c: {  	s28 =	sadd.s32 $0x10, s28;
	s26 =	sadd.s32 $0x1000, s26;
	[sflag:s7] =	ssyncadd.s32 $0xFFFF8000  }
0x6d: {  	s25 =	sadd.s32 $0x1, s25  }
0x6e: {  	p0 =	sne.s32 s25, s4  }
.Ltmp1:
0x6f: {  	_ = 	snop;
	(pc) =	sbr.rel @p0 .LBB2_1-.Ltmp1, $1  }
0x70: {  	_ =	sdelay $0x3  }
0x71: {  	_ =	sfence.sel $0x180000  }
0x72: {  	[bflag:$0x0] =	sbarrier.arrive $0xFFFF  }
0x73: {  	p0 =	sne.s32 s1, $0x0;
	_ =	strace $0x90000047  }
0x74: {  	s0 =	sadd.s32 @!p0 $0x100000, s0;
	[bflag:$0x2] =	sbarrier.arrive $0xFFFF  }
0x75: {  	[sflag:s0] =	ssyncadd.tile.s32 @!p0 $0x1;
	_ =	shalt  }
.Lfunc_end2:
_tile_overlayer_lowered:
.L_overlay_start_2:
0x76: {  	(tag) =	ssettag $0x2  }
0x77: {  	s0 =	rddreg [dreg:$0x0];
	s2 =	stileid.u32  }
0x78: {  	s1 =	rddreg [dreg:$0x1];
	p0 =	sne.s32 s2, $0x0  }
0x79: {  	s3 =	rddreg [dreg:$0x2];
	[bflag:$0x3] =	sbarrier.arrive $0xFFFF;
	s2 =	simm.s32 @!p0 $0x1C02  }
0x7a: {  	[timem:s3], [sflag:s2] =	dma.local @!p0 [hbm:s0], s1  }
0x7b: {  	s0 =	simm.s32 @!p0 $0x2  }
0x7c: {  	_ =	swait.ge @!p0 [sflag:s0], s1  }
0x7d: {  	s1 =	ssub.s32 @!p0 $0x0, s1;
	[sflag:s0] =	ssyncset.done @!p0 $0x0  }
0x7e: {  	[sflag:s0] =	ssyncadd.s32 @!p0 s1  }
0x7f: {  	[bflag:$0x3] =	sbarrier.arrive $0xFFFF  }
0x80: {  	_ =	shalt  }

</sc_bundles>
